<compile_context>
chip_gen: v7x
topology: tpu7x:2x2x1
jax: 0.10.2.dev20260603
libtpu: 0.0.44.dev20260713+nightly
codegen_flags: <defaults>
</compile_context>

<pallas_src>
import functools

import jax
import jax.numpy as jnp
from jax import lax
from jax.experimental import pallas as pl
from jax.experimental.pallas import tpu as pltpu
from jax.experimental.pallas import tpu_sc as plsc

_SU, _SL, _TU, _TL = 100.0, 0.0, 500.0, 0.0
_B, _L, _LOC, _D = 16, 50, 1024, 16
_NC, _NS = 2, 16
_IPW = 32
_NACT = (_B * _L) // _IPW
_R = 80
_NSTEP = (_B * _L) // _R


def _sc_gather_rows(mat2, idx):
    mesh = plsc.VectorSubcoreMesh(core_axis_name="c", subcore_axis_name="s")

    @functools.partial(
        pl.kernel,
        mesh=mesh,
        out_type=jax.ShapeDtypeStruct((_B * _L, _LOC), jnp.float32),
        scratch_types=[
            pltpu.VMEM((_IPW,), jnp.int32),
            pltpu.VMEM((_IPW, _LOC), jnp.float32),
            pltpu.SemaphoreType.DMA,
        ],
    )
    def gather_k(tab_hbm, idx_hbm, out_hbm, idx_v, rows_v, sem):
        wid = lax.axis_index("s") * _NC + lax.axis_index("c")

        @pl.when(wid < _NACT)
        def _():
            base = wid * _IPW
            pltpu.sync_copy(idx_hbm.at[pl.ds(base, _IPW)], idx_v)
            pltpu.async_copy(tab_hbm.at[idx_v], rows_v, sem).wait()
            pltpu.sync_copy(rows_v, out_hbm.at[pl.ds(base, _IPW)])

    return gather_k(mat2, idx)


def _tc_body(g_ref, vv_ref, tl_ref, w_ref, out_ref):
    c = pl.program_id(0)
    g = g_ref[...]
    vv = vv_ref[0, 0, :]
    tl = tl_ref[0, 0, :]
    w = w_ref[...]
    sl0, sl1, su1 = w[0:1], w[1:2], w[3:4]
    t0, t1, u0, u1 = w[4:5], w[5:6], w[6:7], w[7:8]
    a0 = sl0 + t0
    a1 = sl1 + t1
    b0 = (u0 - t0) * (1.0 / (_TU - _TL))
    b1 = (u1 - t1) * (1.0 / (_TU - _TL))
    s1 = (su1 - sl1) * (1.0 / (_SU - _SL))
    ri = lax.broadcasted_iota(jnp.int32, (_R, _D), 0) + c * _R
    li = jnp.mod(ri, _L)
    mc = (li < tl.astype(jnp.int32)[:, None]).astype(jnp.float32)
    base = a0 + mc * (a1 - a0) + vv[:, None] * (b0 + mc * (b1 - b0))
    s1l = mc * s1
    out_ref[...] = base[:, :, None] + g[:, None, :] * s1l[:, :, None]


def _tc_expand(g, vec3, tl3, wall):
    return pl.pallas_call(
        _tc_body,
        grid=(_NSTEP,),
        in_specs=[
            pl.BlockSpec((_R, _LOC), lambda c: (c, 0)),
            pl.BlockSpec((1, 1, _R), lambda c: (c, 0, 0)),
            pl.BlockSpec((1, 1, _R), lambda c: (c, 0, 0)),
            pl.BlockSpec((8, _D), lambda c: (0, 0)),
        ],
        out_specs=pl.BlockSpec((_R, _D, _LOC), lambda c: (c, 0, 0)),
        out_shape=jax.ShapeDtypeStruct((_B * _L, _D, _LOC), jnp.float32),
    )(g, vec3, tl3, wall)


def kernel(traj_loc, mat2, vec, traj_len, W_sl, W_su, W_tl, W_tu):
    idx = (traj_loc.astype(jnp.int32) - 1).reshape(_B * _L)
    g = _sc_gather_rows(mat2, idx)
    wall = jnp.concatenate([W_sl, W_su, W_tl, W_tu], axis=0)
    tl_row = jnp.repeat(traj_len.astype(jnp.float32), _L)
    res = _tc_expand(
        g,
        vec.astype(jnp.float32).reshape(_NSTEP, 1, _R),
        tl_row.reshape(_NSTEP, 1, _R),
        wall,
    )
    return res.reshape(_B, _L, _D, _LOC).transpose(0, 1, 3, 2)

# --- scband reference (transcript-rebuilt; emitter-appended) ---
"""Pipeline reference for scband-embed-30520037606029 (READ-ONLY COPY).

The authoritative reference and input builder live on the scoring server;
editing this copy changes nothing except your own understanding.
"""

import jax, jax.numpy as jnp
import numpy as np

SU, SL, TU, TL = 100.0, 0.0, 500.0, 0.0
B, L, LOC, D = 16, 50, 1024, 16


def setup_inputs(seed: int = 0):
    key = jax.random.key(seed)
    ks = jax.random.split(key, 8)
    traj_loc = jax.random.randint(ks[0], (B, L), 1, LOC + 1)
    mat2 = jax.random.uniform(ks[1], (LOC, LOC), dtype=jnp.float32) * SU
    vec = jax.random.uniform(ks[2], (B, L), dtype=jnp.float32) * TU
    traj_len = jax.random.randint(ks[3], (B,), 1, L + 1)
    W_sl = jax.random.normal(ks[4], (2, D), dtype=jnp.float32)
    W_su = jax.random.normal(ks[5], (2, D), dtype=jnp.float32)
    W_tl = jax.random.normal(ks[6], (2, D), dtype=jnp.float32)
    W_tu = jax.random.normal(ks[7], (2, D), dtype=jnp.float32)
    return {"traj_loc": traj_loc, "mat2": mat2, "vec": vec, "traj_len": traj_len,
            "W_sl": W_sl, "W_su": W_su, "W_tl": W_tl, "W_tu": W_tu}


def _forward(mat2, vec, W_sl, W_su, W_tl, W_tu, traj_loc, traj_len):
    b, l = vec.shape
    loc = mat2.shape[1]
    # delta_t = vec.unsqueeze(-1).expand(-1, -1, loc_max)
    delta_t = jnp.broadcast_to(vec[:, :, None], (b, l, loc))
    # per-row valid-length mask (vectorized form of the python loop)
    seq_mask = jnp.arange(l)[None, :] < traj_len[:, None]  # [B, L] bool
    # delta_s[i, :len] = mat2[traj_loc[i]-1][:len]
    rows = jnp.take(mat2, traj_loc - 1, axis=0)  # [B, L, LOC] gather
    delta_s = jnp.where(seq_mask[:, :, None], rows, 0.0)
    mask = jnp.broadcast_to(seq_mask[:, :, None].astype(jnp.int32), (b, l, loc))
    # embedding lookups on the 0/1 mask -> [B, L, LOC, D]
    esl = jnp.take(W_sl, mask, axis=0)
    esu = jnp.take(W_su, mask, axis=0)
    etl = jnp.take(W_tl, mask, axis=0)
    etu = jnp.take(W_tu, mask, axis=0)
    vsl = (delta_s - SL)[..., None]
    vsu = (SU - delta_s)[..., None]
    vtl = (delta_t - TL)[..., None]
    vtu = (TU - delta_t)[..., None]
    space_interval = (esl * vsu + esu * vsl) / (SU - SL)
    time_interval = (etl * vtu + etu * vtl) / (TU - TL)
    return space_interval + time_interval


def reference(traj_loc, mat2, vec, traj_len, W_sl, W_su, W_tl, W_tu):
    return _forward(mat2, vec, W_sl, W_su, W_tl, W_tu, traj_loc, traj_len)

if __name__ == "__main__":
    import jax
    _d = setup_inputs()
    print(jax.jit(kernel)(*tuple(_d.values())))

</pallas_src>

<mosaic_0001>
#map = affine_map<(d0, d1) -> (0, 0)>
#map1 = affine_map<(d0, d1) -> (0)>
module attributes {stable_mosaic.version = 14 : i64} {
  func.func @gather_k(%arg0: i32, %arg1: i32, %arg2: memref<1024x1024xf32, #tpu.memory_space<hbm>>, %arg3: memref<800xi32, #tpu.memory_space<hbm>>, %arg4: memref<800x1024xf32, #tpu.memory_space<hbm>>, %arg5: memref<32xi32, #tpu.memory_space<vmem>>, %arg6: memref<32x1024xf32, #tpu.memory_space<vmem>>, %arg7: memref<!tpu.dma_semaphore, #tpu.memory_space<semaphore_mem>>) attributes {dimension_semantics = [#tpu.dimension_semantics<core_parallel>, #tpu.dimension_semantics<subcore_parallel>], iteration_bounds = array<i64: 2, 16>, scalar_prefetch = 0 : i64, scratch_operands = 3 : i64, tpu.core_type = #tpu.core_type<sc_vector_subcore>, window_params = [{transform_indices = #map}, {transform_indices = #map1}, {transform_indices = #map}]} {
    %mul3A = arith.constant 2 : i32
    %mul3A_0 = arith.muli %arg1, %mul3A : i32
    %add3A = arith.addi %mul3A_0, %arg0 : i32
    %lt3A = arith.constant 25 : i32
    %lt3A_1 = arith.cmpi slt, %add3A, %lt3A : i32
    %convert_element_type3A = arith.extui %lt3A_1 : i1 to i32
    %cond3A = arith.constant 0 : i32
    %cond3A_2 = arith.cmpi ne, %convert_element_type3A, %cond3A : i32
    scf.if %cond3A_2 {
      %mul3A_3 = arith.constant 32 : i32
      %mul3A_4 = arith.muli %add3A, %mul3A_3 : i32
      "tpu.region"() ({
        %run_scoped3A = tpu.sem_alloc : memref<!tpu.dma_semaphore, #tpu.memory_space<semaphore_mem>>
        %dma_start3A_9 = tpu.memref_slice %arg3[%mul3A_4] : memref<800xi32, #tpu.memory_space<hbm>> -> memref<32xi32, #tpu.memory_space<hbm>>
        %dma_start3A_10 = tpu.memref_slice %arg3[%mul3A_4] : memref<800xi32, #tpu.memory_space<hbm>> -> memref<32xi32, #tpu.memory_space<hbm>>
        tpu.enqueue_dma source(%dma_start3A_10 : memref<32xi32, #tpu.memory_space<hbm>>) target(%arg5 : memref<32xi32, #tpu.memory_space<vmem>>) target_semaphore(%run_scoped3A : memref<!tpu.dma_semaphore, #tpu.memory_space<semaphore_mem>>)
        %dma_wait3A_11 = tpu.memref_slice %arg3[%mul3A_4] : memref<800xi32, #tpu.memory_space<hbm>> -> memref<32xi32, #tpu.memory_space<hbm>>
        %dma_wait3A_12 = tpu.memref_slice %arg3[%mul3A_4] : memref<800xi32, #tpu.memory_space<hbm>> -> memref<32xi32, #tpu.memory_space<hbm>>
        tpu.wait_dma2 semaphore(%run_scoped3A : memref<!tpu.dma_semaphore, #tpu.memory_space<semaphore_mem>>) src(%dma_wait3A_12 : memref<32xi32, #tpu.memory_space<hbm>>) dst(%arg5 : memref<32xi32, #tpu.memory_space<vmem>>)
        tpu.yield
      }) : () -> ()
      %dma_start3A = arith.constant 0 : i32
      %dma_start3A_5 = arith.constant 0 : i32
      %dma_start3A_6 = tpu.memref_slice %arg2[%dma_start3A, %dma_start3A_5] : memref<1024x1024xf32, #tpu.memory_space<hbm>> -> memref<1024x1024xf32, #tpu.memory_space<hbm>>
      tpu.enqueue_indirect_dma source(%dma_start3A_6 : memref<1024x1024xf32, #tpu.memory_space<hbm>>) target(%arg6 : memref<32x1024xf32, #tpu.memory_space<vmem>>) offsets(%arg5 : memref<32xi32, #tpu.memory_space<vmem>>) semaphore(%arg7 : memref<!tpu.dma_semaphore, #tpu.memory_space<semaphore_mem>>)
      %dma_wait3A = arith.constant 0 : i32
      %dma_wait3A_7 = arith.constant 0 : i32
      %dma_wait3A_8 = tpu.memref_slice %arg2[%dma_wait3A, %dma_wait3A_7] : memref<1024x1024xf32, #tpu.memory_space<hbm>> -> memref<1024x1024xf32, #tpu.memory_space<hbm>>
      tpu.wait_indirect_dma semaphore(%arg7 : memref<!tpu.dma_semaphore, #tpu.memory_space<semaphore_mem>>) src(%dma_wait3A_8 : memref<1024x1024xf32, #tpu.memory_space<hbm>>) dst(%arg6 : memref<32x1024xf32, #tpu.memory_space<vmem>>)
      "tpu.region"() ({
        %run_scoped3A = tpu.sem_alloc : memref<!tpu.dma_semaphore, #tpu.memory_space<semaphore_mem>>
        %dma_start3A_9 = arith.constant 0 : i32
        %dma_start3A_10 = tpu.memref_slice %arg4[%mul3A_4, %dma_start3A_9] : memref<800x1024xf32, #tpu.memory_space<hbm>> -> memref<32x1024xf32, #tpu.memory_space<hbm>>
        %dma_start3A_11 = arith.constant 0 : i32
        %dma_start3A_12 = tpu.memref_slice %arg4[%mul3A_4, %dma_start3A_11] : memref<800x1024xf32, #tpu.memory_space<hbm>> -> memref<32x1024xf32, #tpu.memory_space<hbm>>
        tpu.enqueue_dma source(%arg6 : memref<32x1024xf32, #tpu.memory_space<vmem>>) target(%dma_start3A_12 : memref<32x1024xf32, #tpu.memory_space<hbm>>) target_semaphore(%run_scoped3A : memref<!tpu.dma_semaphore, #tpu.memory_space<semaphore_mem>>)
        %dma_wait3A_13 = arith.constant 0 : i32
        %dma_wait3A_14 = tpu.memref_slice %arg4[%mul3A_4, %dma_wait3A_13] : memref<800x1024xf32, #tpu.memory_space<hbm>> -> memref<32x1024xf32, #tpu.memory_space<hbm>>
        %dma_wait3A_15 = arith.constant 0 : i32
        %dma_wait3A_16 = tpu.memref_slice %arg4[%mul3A_4, %dma_wait3A_15] : memref<800x1024xf32, #tpu.memory_space<hbm>> -> memref<32x1024xf32, #tpu.memory_space<hbm>>
        tpu.wait_dma2 semaphore(%run_scoped3A : memref<!tpu.dma_semaphore, #tpu.memory_space<semaphore_mem>>) src(%arg6 : memref<32x1024xf32, #tpu.memory_space<vmem>>) dst(%dma_wait3A_16 : memref<32x1024xf32, #tpu.memory_space<hbm>>)
        tpu.yield
      }) : () -> ()
    } else {
    }
    return
  }
}

module attributes {stable_mosaic.version = 14 : i64} {
  func.func @_tc_body(%arg0: i32, %arg1: memref<80x1024xf32, #tpu.memory_space<vmem>>, %arg2: memref<1x1x80xf32, #tpu.memory_space<vmem>>, %arg3: memref<1x1x80xf32, #tpu.memory_space<vmem>>, %arg4: memref<8x16xf32, #tpu.memory_space<vmem>>, %arg5: memref<80x16x1024xf32, #tpu.memory_space<vmem>>) attributes {dimension_semantics = [#tpu.dimension_semantics<arbitrary>], iteration_bounds = array<i64: 10>, scalar_prefetch = 0 : i64, scratch_operands = 0 : i64, tpu.core_type = #tpu.core_type<tc>, window_params = [{transform_indices = @transform_0, window_bounds = array<i64: 80, 1024>}, {transform_indices = @transform_1, window_bounds = array<i64: 1, 1, 80>}, {transform_indices = @transform_2, window_bounds = array<i64: 1, 1, 80>}, {pipeline_mode = #tpu.pipeline_mode<synchronous>, transform_indices = @transform_3, window_bounds = array<i64: 8, 16>}, {transform_indices = @transform_4, window_bounds = array<i64: 80, 16, 1024>}]} {
    %get3A = arith.constant 0 : index
    %get3A_0 = arith.constant 0 : index
    %get3A_1 = vector.load %arg1[%get3A, %get3A_0] : memref<80x1024xf32, #tpu.memory_space<vmem>>, vector<80x1024xf32>
    %get3A_2 = arith.constant 0 : index
    %get3A_3 = arith.constant 0 : index
    %get3A_4 = arith.constant 0 : index
    %get3A_5 = vector.load %arg2[%get3A_2, %get3A_3, %get3A_4] : memref<1x1x80xf32, #tpu.memory_space<vmem>>, vector<1x1x80xf32>
    %get3A_6 = vector.shape_cast %get3A_5 : vector<1x1x80xf32> to vector<80xf32>
    %get3A_7 = arith.constant 0 : index
    %get3A_8 = arith.constant 0 : index
    %get3A_9 = arith.constant 0 : index
    %get3A_10 = vector.load %arg3[%get3A_7, %get3A_8, %get3A_9] : memref<1x1x80xf32, #tpu.memory_space<vmem>>, vector<1x1x80xf32>
    %get3A_11 = vector.shape_cast %get3A_10 : vector<1x1x80xf32> to vector<80xf32>
    %get3A_12 = arith.constant 0 : index
    %get3A_13 = arith.constant 0 : index
    %get3A_14 = vector.load %arg4[%get3A_12, %get3A_13] : memref<8x16xf32, #tpu.memory_space<vmem>>, vector<8x16xf32>
    %slice3A = vector.extract_strided_slice %get3A_14 {offsets = [0, 0], sizes = [1, 16], strides = [1, 1]} : vector<8x16xf32> to vector<1x16xf32>
    %slice3A_15 = vector.extract_strided_slice %get3A_14 {offsets = [1, 0], sizes = [1, 16], strides = [1, 1]} : vector<8x16xf32> to vector<1x16xf32>
    %slice3A_16 = vector.extract_strided_slice %get3A_14 {offsets = [3, 0], sizes = [1, 16], strides = [1, 1]} : vector<8x16xf32> to vector<1x16xf32>
    %slice3A_17 = vector.extract_strided_slice %get3A_14 {offsets = [4, 0], sizes = [1, 16], strides = [1, 1]} : vector<8x16xf32> to vector<1x16xf32>
    %slice3A_18 = vector.extract_strided_slice %get3A_14 {offsets = [5, 0], sizes = [1, 16], strides = [1, 1]} : vector<8x16xf32> to vector<1x16xf32>
    %slice3A_19 = vector.extract_strided_slice %get3A_14 {offsets = [6, 0], sizes = [1, 16], strides = [1, 1]} : vector<8x16xf32> to vector<1x16xf32>
    %slice3A_20 = vector.extract_strided_slice %get3A_14 {offsets = [7, 0], sizes = [1, 16], strides = [1, 1]} : vector<8x16xf32> to vector<1x16xf32>
    %add3A = arith.addf %slice3A, %slice3A_17 : vector<1x16xf32>
    %add3A_21 = arith.addf %slice3A_15, %slice3A_18 : vector<1x16xf32>
    %sub3A = arith.subf %slice3A_19, %slice3A_17 : vector<1x16xf32>
    %mul3A = arith.constant 2.000000e-03 : f32
    %mul3A_22 = vector.broadcast %mul3A : f32 to vector<1x16xf32>
    %mul3A_23 = arith.mulf %sub3A, %mul3A_22 : vector<1x16xf32>
    %sub3A_24 = arith.subf %slice3A_20, %slice3A_18 : vector<1x16xf32>
    %mul3A_25 = arith.constant 2.000000e-03 : f32
    %mul3A_26 = vector.broadcast %mul3A_25 : f32 to vector<1x16xf32>
    %mul3A_27 = arith.mulf %sub3A_24, %mul3A_26 : vector<1x16xf32>
    %sub3A_28 = arith.subf %slice3A_16, %slice3A_15 : vector<1x16xf32>
    %mul3A_29 = arith.constant 0.00999999977 : f32
    %mul3A_30 = vector.broadcast %mul3A_29 : f32 to vector<1x16xf32>
    %mul3A_31 = arith.mulf %sub3A_28, %mul3A_30 : vector<1x16xf32>
    %iota3A = tpu.iota {dimensions = array<i32: 0>} : vector<80x16xi32>
    %mul3A_32 = arith.constant 80 : i32
    %mul3A_33 = arith.muli %arg0, %mul3A_32 : i32
    %add3A_34 = vector.broadcast %mul3A_33 : i32 to vector<80x16xi32>
    %add3A_35 = arith.addi %iota3A, %add3A_34 : vector<80x16xi32>
    %jit3A = arith.constant 50 : i32
    %eq3A = arith.constant 0 : i32
    %eq3A_36 = arith.cmpi eq, %jit3A, %eq3A : i32
    %jit3A_37 = arith.constant 1 : i32
    %select_n3A = arith.select %eq3A_36, %jit3A_37, %jit3A : i32
    %rem3A = vector.broadcast %select_n3A : i32 to vector<80x16xi32>
    %rem3A_38 = arith.remsi %add3A_35, %rem3A : vector<80x16xi32>
    %ne3A = arith.constant 0 : i32
    %ne3A_39 = vector.broadcast %ne3A : i32 to vector<80x16xi32>
    %ne3A_40 = arith.cmpi ne, %rem3A_38, %ne3A_39 : vector<80x16xi32>
    %lt3A = arith.constant 0 : i32
    %lt3A_41 = vector.broadcast %lt3A : i32 to vector<80x16xi32>
    %lt3A_42 = arith.cmpi slt, %rem3A_38, %lt3A_41 : vector<80x16xi32>
    %lt3A_43 = arith.constant 0 : i32
    %lt3A_44 = arith.cmpi slt, %select_n3A, %lt3A_43 : i32
    %ne3A_45 = vector.broadcast %lt3A_44 : i1 to vector<80x16xi1>
    %ne3A_46 = vector.broadcast %ne3A_45 : vector<80x16xi1> to vector<80x16xi1>
    %ne3A_47 = arith.xori %lt3A_42, %ne3A_46 : vector<80x16xi1>
    %and3A = arith.andi %ne3A_47, %ne3A_40 : vector<80x16xi1>
    %add3A_48 = vector.broadcast %select_n3A : i32 to vector<80x16xi32>
    %add3A_49 = arith.addi %rem3A_38, %add3A_48 : vector<80x16xi32>
    %select_n3A_50 = arith.select %and3A, %add3A_49, %rem3A_38 : vector<80x16xi1>, vector<80x16xi32>
    %convert_element_type3A = arith.fptosi %get3A_11 : vector<80xf32> to vector<80xi32>
    %broadcast_in_dim3A = vector.shape_cast %convert_element_type3A : vector<80xi32> to vector<80x1xi32>
    %lt3A_51 = vector.broadcast %broadcast_in_dim3A : vector<80x1xi32> to vector<80x16xi32>
    %lt3A_52 = arith.cmpi slt, %select_n3A_50, %lt3A_51 : vector<80x16xi32>
    %convert_element_type3A_53 = arith.extui %lt3A_52 : vector<80x16xi1> to vector<80x16xi32>
    %convert_element_type3A_54 = arith.sitofp %convert_element_type3A_53 : vector<80x16xi32> to vector<80x16xf32>
    %sub3A_55 = arith.subf %add3A_21, %add3A : vector<1x16xf32>
    %mul3A_56 = vector.broadcast %sub3A_55 : vector<1x16xf32> to vector<80x16xf32>
    %mul3A_57 = arith.mulf %convert_element_type3A_54, %mul3A_56 : vector<80x16xf32>
    %add3A_58 = vector.broadcast %add3A : vector<1x16xf32> to vector<80x16xf32>
    %add3A_59 = arith.addf %add3A_58, %mul3A_57 : vector<80x16xf32>
    %broadcast_in_dim3A_60 = vector.shape_cast %get3A_6 : vector<80xf32> to vector<80x1xf32>
    %sub3A_61 = arith.subf %mul3A_27, %mul3A_23 : vector<1x16xf32>
    %mul3A_62 = vector.broadcast %sub3A_61 : vector<1x16xf32> to vector<80x16xf32>
    %mul3A_63 = arith.mulf %convert_element_type3A_54, %mul3A_62 : vector<80x16xf32>
    %add3A_64 = vector.broadcast %mul3A_23 : vector<1x16xf32> to vector<80x16xf32>
    %add3A_65 = arith.addf %add3A_64, %mul3A_63 : vector<80x16xf32>
    %mul3A_66 = vector.broadcast %broadcast_in_dim3A_60 : vector<80x1xf32> to vector<80x16xf32>
    %mul3A_67 = arith.mulf %mul3A_66, %add3A_65 : vector<80x16xf32>
    %add3A_68 = arith.addf %add3A_59, %mul3A_67 : vector<80x16xf32>
    %mul3A_69 = vector.broadcast %mul3A_31 : vector<1x16xf32> to vector<80x16xf32>
    %mul3A_70 = arith.mulf %convert_element_type3A_54, %mul3A_69 : vector<80x16xf32>
    %broadcast_in_dim3A_71 = vector.shape_cast %add3A_68 : vector<80x16xf32> to vector<80x16x1xf32>
    %broadcast_in_dim3A_72 = vector.shape_cast %get3A_1 : vector<80x1024xf32> to vector<80x1x1024xf32>
    %broadcast_in_dim3A_73 = vector.shape_cast %mul3A_70 : vector<80x16xf32> to vector<80x16x1xf32>
    %mul3A_74 = vector.broadcast %broadcast_in_dim3A_72 : vector<80x1x1024xf32> to vector<80x16x1024xf32>
    %mul3A_75 = vector.broadcast %broadcast_in_dim3A_73 : vector<80x16x1xf32> to vector<80x16x1024xf32>
    %mul3A_76 = arith.mulf %mul3A_74, %mul3A_75 : vector<80x16x1024xf32>
    %add3A_77 = vector.broadcast %broadcast_in_dim3A_71 : vector<80x16x1xf32> to vector<80x16x1024xf32>
    %add3A_78 = arith.addf %add3A_77, %mul3A_76 : vector<80x16x1024xf32>
    %swap3A = arith.constant 0 : index
    %swap3A_79 = arith.constant 0 : index
    %swap3A_80 = arith.constant 0 : index
    %swap3A_81 = vector.load %arg5[%swap3A, %swap3A_79, %swap3A_80] : memref<80x16x1024xf32, #tpu.memory_space<vmem>>, vector<80x16x1024xf32>
    tpu.vector_store %arg5[%swap3A, %swap3A_79, %swap3A_80], %add3A_78 {strides = array<i32>} : memref<80x16x1024xf32, #tpu.memory_space<vmem>>, vector<80x16x1024xf32>,
    return
  }
  func.func @transform_0(%arg0: i32) -> (i32, i32) {
    %c0_i32 = arith.constant 0 : i32
    %c0_i32_0 = arith.constant 0 : i32
    return %arg0, %c0_i32 : i32, i32
  }
  func.func @transform_1(%arg0: i32) -> (i32, i32, i32) {
    %c0_i32 = arith.constant 0 : i32
    %c0_i32_0 = arith.constant 0 : i32
    %c0_i32_1 = arith.constant 0 : i32
    return %arg0, %c0_i32, %c0_i32_0 : i32, i32, i32
  }
  func.func @transform_2(%arg0: i32) -> (i32, i32, i32) {
    %c0_i32 = arith.constant 0 : i32
    %c0_i32_0 = arith.constant 0 : i32
    %c0_i32_1 = arith.constant 0 : i32
    return %arg0, %c0_i32, %c0_i32_0 : i32, i32, i32
  }
  func.func @transform_3(%arg0: i32) -> (i32, i32) {
    %c0_i32 = arith.constant 0 : i32
    %c0_i32_0 = arith.constant 0 : i32
    %c0_i32_1 = arith.constant 0 : i32
    return %c0_i32, %c0_i32_0 : i32, i32
  }
  func.func @transform_4(%arg0: i32) -> (i32, i32, i32) {
    %c0_i32 = arith.constant 0 : i32
    %c0_i32_0 = arith.constant 0 : i32
    %c0_i32_1 = arith.constant 0 : i32
    return %arg0, %c0_i32, %c0_i32_0 : i32, i32, i32
  }
}

</mosaic_0001>

<sc_bundles>
// kernel: kernel.4.cloned.1.call-start
scs
__scs_entry_jumppad:
0x0: {  	(pc) =	sbr.rel $0x88, $3  }
0x1: {  	(tag) =	ssettag $0x0;
	lr =	simm.s32 $0x1  }
0x2: {  	[smem:$0x3F99] =	sst lr;
	_ =	strace $0xD0000000  }
0x3: {  	_ = 	snop  }
0x4: {  	_ = 	snop  }
0x5: {  	_ = 	snop  }
0x6: {  	_ = 	snop  }
0x7: {  	_ = 	snop  }
__scs_overlays_trampoline_lowered:
0x8: {  	[smem:$0x3FA8] =	sst s0  }
0x9: {  	[smem:$0x3FA9] =	sst s1  }
0xa: {  	[smem:$0x3FAA] =	sst s2  }
0xb: {  	[smem:$0x3FAB] =	sst s3  }
0xc: {  	[smem:$0x3FAC] =	sst s4  }
0xd: {  	[smem:$0x3FAD] =	sst s5  }
0xe: {  	[smem:$0x3FAE] =	sst s6  }
0xf: {  	[smem:$0x3FAF] =	sst s7  }
0x10: {  	[smem:$0x3FB0] =	sst s8  }
0x11: {  	[smem:$0x3FB1] =	sst s9;
	s0 =	simm.s32 @!p0 $0x0  }
0x12: {  	s1 =	sld [smem:$0x3F97];
	s0 =	simm.s32 @p0 $0x1  }
0x13: {  	[smem:$0x3FB2] =	sst s0;
	s0 =	simm.s32 @!p1 $0x0  }
0x14: {  	s2 =	sld [smem:$0x3F96];
	s0 =	simm.s32 @p1 $0x1  }
0x15: {  	[smem:$0x3FB3] =	sst s0;
	s0 =	simm.s32 @!p2 $0x0  }
0x16: {  	s3 =	sld [smem:$0x3FDB];
	s0 =	simm.s32 @p2 $0x1  }
0x17: {  	s4 =	simm.s32 $0x1BF5;
	[smem:$0x3FB5] =	sst s0  }
0x18: {  	s0 =	sld [smem:$0x3F98];
	_ =	swait.ge [sflag:s4], $0x0  }
0x19: {  	s7 =	sld [smem:$0x3F99]  }
0x1a: {  	s8 =	sadd.s32 $0xFFFFE003, lr  }
0x1b: {  	s9 =	sadd.s32 $0xFFFFFEF7, lr;
	s5 =	simm.s32 $0xFFFFFFFF;
	p2 =	slt.u32 s8, $0xFFFFF086  }
0x1c: {  	p1 =	slt.u32 s9, $0xF7A;
	s5 =	simm.s32 @!p2 $0x0  }
0x1d: {  	s5 =	simm.s32 @p1 $0x1;
	p0 =	seq.s32 s7, s2  }
0x1e: {  	s7 =	smul.u32 @!p0 $0xF7A, s2;
	p2 =	seq.s32 @!p0 s5, $0x0  }
0x1f: {  	s9 =	smul.u32 $0xF7A, s1;
	s8 =	simm.s32 @!p0 $0x1BF5;
	p2 =	por !p2, p0  }
0x20: {  	[sflag:s8] =	ssyncset.s32 @!p0 $0xFFFFF086;
	s6 =	sadd.s32 @!p0 s3, s7;
	s7 =	simm.s32 @!p0 $0x108  }
0x21: {  	s3 =	sadd.s32 s3, s9;
	s6 =	sadd.s32 @!p0 $0x88, s6;
	s7 =	simm.s32 @p2 $0x1082  }
0x22: {  	[simem:s7], [sflag:s8] =	dma.local @!p0 [hbm:s6], $0xF7A  }
0x23: {  	s9 =	sor.u32 $0xD0000000, s2;
	s6 =	simm.s32 $0x108;
	_ =	swait.ge @!p0 [sflag:s8], $0x0  }
0x24: {  	s3 =	sadd.s32 $0x88, s3;
	s6 =	simm.s32 @!p1 $0x1082;
	[sflag:s4] =	ssyncset.s32 $0xFFFFF086  }
0x25: {  	[simem:s6], [sflag:s4] =	dma.local [hbm:s3], $0xF7A  }
0x26: {  	[smem:$0x3F99] =	sst s1;
	(tag) =	ssettag s2;
	_ =	strace s9  }
0x27: {  	s1 =	sld [smem:$0x3FA9]  }
0x28: {  	s2 =	sld [smem:$0x3FAA]  }
0x29: {  	s4 =	sld [smem:$0x3FAC]  }
0x2a: {  	p0 =	seq.s32 s5, $0x0;
	s5 =	sld [smem:$0x3FAD]  }
0x2b: {  	s6 =	sld [smem:$0x3FAE]  }
0x2c: {  	s7 =	sld [smem:$0x3FAF]  }
0x2d: {  	s3 =	simm.s32 $0x108;
	s8 =	sld [smem:$0x3FB0]  }
0x2e: {  	s3 =	simm.s32 @!p0 $0x1082;
	s9 =	sld [smem:$0x3FB1]  }
0x2f: {  	lr =	sadd.s32 s0, s3;
	s0 =	sld [smem:$0x3FA8]  }
0x30: {  	s3 =	sld [smem:$0x3FAB]  }
0x31: {  	[smem:$0x3FB4] =	sst s10  }
0x32: {  	s10 =	sld [smem:$0x3FB2];
	_ =	sdelay $0x3  }
0x33: {  	p0 =	seq.s32 s10, $0x1;
	s10 =	sld [smem:$0x3FB4];
	_ =	sdelay $0x3  }
0x34: {  	[smem:$0x3FB4] =	sst s10  }
0x35: {  	s10 =	sld [smem:$0x3FB3];
	_ =	sdelay $0x3  }
0x36: {  	p1 =	seq.s32 s10, $0x1;
	s10 =	sld [smem:$0x3FB4];
	_ =	sdelay $0x3  }
0x37: {  	[smem:$0x3FB4] =	sst s10  }
0x38: {  	s10 =	sld [smem:$0x3FB5]  }
0x39: {  	_ = 	snop;
	(pc) =	sbr.ind lr, $3  }
0x3a: {  	_ = 	snop  }
0x3b: {  	_ = 	snop  }
0x3c: {  	p2 =	seq.s32 s10, $0x1;
	s10 =	sld [smem:$0x3FB4]  }
0x3d: {  	_ =	shalt  }
0x3e: {  	_ =	shalt  }
0x3f: {  	_ =	shalt  }
0x40: {  	_ =	shalt  }
0x41: {  	_ =	shalt  }
0x42: {  	_ =	shalt  }
0x43: {  	_ =	shalt  }
0x44: {  	_ =	shalt  }
0x45: {  	_ =	shalt  }
0x46: {  	_ =	shalt  }
0x47: {  	_ =	shalt  }
0x48: {  	_ =	shalt  }
0x49: {  	_ =	shalt  }
0x4a: {  	_ =	shalt  }
0x4b: {  	_ =	shalt  }
0x4c: {  	_ =	shalt  }
0x4d: {  	_ =	shalt  }
0x4e: {  	_ =	shalt  }
0x4f: {  	_ =	shalt  }
0x50: {  	_ =	shalt  }
0x51: {  	_ =	shalt  }
0x52: {  	_ =	shalt  }
0x53: {  	_ =	shalt  }
0x54: {  	_ =	shalt  }
0x55: {  	_ =	shalt  }
0x56: {  	_ =	shalt  }
0x57: {  	_ =	shalt  }
0x58: {  	_ =	shalt  }
0x59: {  	_ =	shalt  }
0x5a: {  	_ =	shalt  }
0x5b: {  	_ =	shalt  }
0x5c: {  	_ =	shalt  }
0x5d: {  	_ =	shalt  }
0x5e: {  	_ =	shalt  }
0x5f: {  	_ =	shalt  }
0x60: {  	_ =	shalt  }
0x61: {  	_ =	shalt  }
0x62: {  	_ =	shalt  }
0x63: {  	_ =	shalt  }
0x64: {  	_ =	shalt  }
0x65: {  	_ =	shalt  }
0x66: {  	_ =	shalt  }
0x67: {  	_ =	shalt  }
0x68: {  	_ =	shalt  }
0x69: {  	_ =	shalt  }
0x6a: {  	_ =	shalt  }
0x6b: {  	_ =	shalt  }
0x6c: {  	_ =	shalt  }
0x6d: {  	_ =	shalt  }
0x6e: {  	_ =	shalt  }
0x6f: {  	_ =	shalt  }
0x70: {  	_ =	shalt  }
0x71: {  	_ =	shalt  }
0x72: {  	_ =	shalt  }
0x73: {  	_ =	shalt  }
0x74: {  	_ =	shalt  }
0x75: {  	_ =	shalt  }
0x76: {  	_ =	shalt  }
0x77: {  	_ =	shalt  }
0x78: {  	_ =	shalt  }
0x79: {  	_ =	shalt  }
0x7a: {  	_ =	shalt  }
0x7b: {  	_ =	shalt  }
0x7c: {  	_ =	shalt  }
0x7d: {  	_ =	shalt  }
0x7e: {  	_ =	shalt  }
0x7f: {  	_ =	shalt  }
0x80: {  	_ =	shalt  }
0x81: {  	_ =	shalt  }
0x82: {  	_ =	shalt  }
0x83: {  	_ =	shalt  }
0x84: {  	_ =	shalt  }
0x85: {  	_ =	shalt  }
0x86: {  	_ =	shalt  }
0x87: {  	_ =	shalt  }
.Lfunc_end0:
.L_simem_size_0:
called_computation_lowered:
.L_overlay_start_0:
0x88: {  	s2 =	sld [smem:$0x3FD9]  }
0x89: {  	s3 =	sld [smem:$0x3FFE];
	_ =	sdelay $0x1  }
0x8a: {  	s1 =	srdreg.scid  }
0x8b: {  	s0 =	sand.u32 $0x1, s1  }
0x8c: {  	s17 =	sshll.u32 s0, $0xA;
	s2 =	sadd.s32 s3, s2  }
0x8d: {  	s2 =	sadd.s32 s2, s17  }
0x8e: {  	[smem:$0x3FC0] =	sst s2  }
0x8f: {  	_ = 	snop  }
0x90: {  	s2 =	sld [smem:$0x3FC8]  }
0x91: {  	s18 =	sld [smem:$0x3FD0];
	(tm) =	ssettm $0x1  }
0x92: {  	s4 =	sld [smem:$0x3FFB];
	_ =	sdelay $0x3  }
0x93: {  	_ =	strace s4  }
0x94: {  	s4 =	sld [smem:$0x3FFC];
	_ =	sdelay $0x3  }
0x95: {  	_ =	strace s4  }
0x96: {  	s4 =	sld [smem:$0x3FFD];
	_ =	sdelay $0x3  }
0x97: {  	_ =	strace s4  }
0x98: {  	_ =	strace $0x8FFFFFFF  }
0x99: {  	s19 =	sld [smem:$0x3FDB];
	_ =	sdelay $0x1  }
0x9a: {  	s5 =	simm.s32 $_scs_section_size  }
0x9b: {  	s6 =	simm.s32 $_size__tile_overlayer_lowered;
	s7 =	simm.s32 $_tile_overlayer_lowered  }
0x9c: {  	s22 =	simm.s32 $0x1BFF;
	s21 =	sshll.u32 s7, $0x1;
	s4 =	sadd.s32 s5, s19  }
0x9d: {  	s8 =	simm.s32 $0x0;
	s20 =	sshll.u32 s6, $0x1;
	s6 =	sadd.s32 s21, s4  }
0x9e: {  	[timem:s8], [sflag:s22] =	dma.local [hbm:s6], s20  }
0x9f: {  	_ =	swait.ge [sflag:s22], s20  }
0xa0: {  	s5 =	ssub.s32 $0x0, s20;
	[sflag:s22] =	ssyncset.done $0x0  }
0xa1: {  	[sflag:s22] =	ssyncadd.s32 s5;
	_ =	sdelay $0x1  }
0xa2: {  	s23 =	simm.s32 $0x1B8B  }
0xa3: {  	_ =	swait.ge [sflag:s23], $0x1  }
0xa4: {  	[sflag:s23] =	ssyncset.done $0x0  }
0xa5: {  	s25 =	simm.s32 $0x1B8E;
	s24 =	sld [smem:$0x3FFE];
	[sflag:s23] =	ssyncadd.s32 $0xFFFFFFFF  }
0xa6: {  	s26 =	simm.s32 $execute0_lowered;
	[smem:$0x3FD2] =	sst s25  }
0xa7: {  	s6 =	sshll.u32 s26, $0x1;
	_ =	strace $0x80000046;
	[dreg:$0x1] =	wrdreg $0xFFFFFFFF  }
0xa8: {  	s28 =	simm.s32 $_size_execute0_lowered;
	s4 =	sadd.s32 s4, s6;
	[dreg:$0x0] =	wrdreg $0x0  }
0xa9: {  	s6 =	sshll.u32 s28, $0x1;
	[dreg:$0x2] =	wrdreg s4  }
0xaa: {  	[dreg:$0x3] =	wrdreg s6  }
0xab: {  	[dreg:$0x4] =	wrdreg $0xC0  }
0xac: {  	_ =	task [dreg:s8], $0x5FFFF  }
0xad: {  	[dreg:$0x1] =	wrdreg $0xFFFFFFFF  }
0xae: {  	[dreg:$0x0] =	wrdreg $0x60  }
0xaf: {  	[dreg:$0x2] =	wrdreg s2  }
0xb0: {  	[dreg:$0x3] =	wrdreg s24  }
0xb1: {  	[dreg:$0x4] =	wrdreg s18  }
0xb2: {  	[dreg:$0x5] =	wrdreg $0x9  }
0xb3: {  	_ =	task.clear_ibuf [dreg:s8], $0x6FFFF;
	_ =	strace $0x90000046  }
0xb4: {  	s29 =	simm.s32 $0x9;
	_ =	strace $0x80000048  }
0xb5: {  	_ =	swait.ge [sflag:s29], $0x1  }
0xb6: {  	[sflag:s29] =	ssyncadd.s32 $0xFFFFFFFF  }
0xb7: {  	_ =	strace $0x90000048  }
0xb8: {  	_ =	sfence  }
0xb9: {  	s30 =	sld [smem:$0x0];
	_ =	sdelay $0x2  }
0xba: {  	s31 =	sshll.u32 s1, $0xD;
	s1 =	sshrl.u32 s1, $0x2  }
0xbb: {  	s3 =	sand.u32 $0x4000, s31;
	s1 =	sadd.s32 s1, s30  }
0xbc: {  	s0 =	sor.u32 s3, s0;
	s1 =	sshll.u32 s1, $0x11  }
0xbd: {  	s0 =	sor.u32 s1, s0  }
0xbe: {  	s0 =	sadd.s32 $0x8F2B, s0  }
0xbf: {  	[sflag:s0] =	ssyncadd.remote.s32 $0x1  }
0xc0: {  	_ =	sfence.sel $0xFFFF  }
0xc1: {  	[dreg:$0x0] =	wrdreg $0xFFFFFFFF;
	(pc) =	sbr.abs _section_cstart, $3  }
0xc2: {  	[dreg:$0x1] =	wrdreg $0xFFFFFFFF  }
0xc3: {  	_ =	task.clear_ibuf [dreg:s8], $0x2FFFF;
	_ =	strace $0x9FFFFFFF  }
0xc4: {  	(tm) =	ssettm $0x7FFFFFFF  }
0xc5: {  	_ =	shalt  }
tec
execute0_lowered:
.L_overlay_start_1:
0x0: {  	(tag) =	ssettag $0x1  }
0x1: {  	s2 =	srdreg.scid;
	s0 =	stileid.u32  }
0x2: {  	s5 =	sand.u32 $0x1, s2;
	s6 =	sshll.u32 s0, $0x1  }
0x3: {  	s8 =	sor.u32 s5, s6  }
0x4: {  	p0 =	sgt.u32 s8, $0x18  }
.Ltmp0:
0x5: {  	s1 =	rddreg [dreg:$0x0];
	(pc) =	sbr.rel @p0 .LBB2_3-.Ltmp0, $4  }
0x6: {  	s4 =	rddreg [dreg:$0x1]  }
0x7: {  	s7 =	rddreg [dreg:$0x2];
	s3 =	simm.s32 $0x0  }
0x8: {  	[smem:$0x7FF] =	sst s3  }
0x9: {  	s2 =	rddreg [dreg:$0x3];
	_ =	strace $0x80000047  }
0xa: {  	s9 =	sadd.s32 $0x1200, s4;
	s4 =	sadd.s32 $0x100, s1;
	s10 =	ssub.s32 $0x2, s5  }
0xb: {  	s5 =	sadd.s32 $0x200, s1;
	s6 =	sadd.s32 $0x300, s1;
	s12 =	sshll.u32 s8, $0xC  }
0xc: {  	s31 =	sshll.u32 s8, $0x2;
	s13 =	simm.s32 $0x1080;
	s14 =	simm.s32 $0x1880  }
0xd: {  	s15 =	simm.s32 $0x2080;
	s16 =	simm.s32 $0x2880;
	s17 =	simm.s32 $0x3080  }
0xe: {  	s18 =	simm.s32 $0x3880;
	s19 =	simm.s32 $0x4080;
	s20 =	simm.s32 $0x4880  }
0xf: {  	s21 =	simm.s32 $0x5080;
	s22 =	simm.s32 $0x5880;
	s23 =	simm.s32 $0x6080  }
0x10: {  	s24 =	simm.s32 $0x6880;
	s25 =	simm.s32 $0x7080;
	s26 =	simm.s32 $0x7880  }
0x11: {  	v2 =	vlaneseq.u32;
	s28 =	simm.s32 $0x1;
	s11 =	sshrl.u32 s10, $0x1;
	s7 =	sadd.s32 s7, s12  }
0x12: {  	vm0 =	vmmov $0xffff;
	s8 =	sadd.s32 s9, s31;
	s12 =	simm.s32 $0x880;
	v1 =	vshrl.u32 v2, $0x3;
	s10 =	ssub.s32 s10, s11  }
0x13: {  	v0 =	vand.u32 $0x7, v2;
	v2 =	vor.u32 $0x8, v2;
	s11 =	simm.s32 $0x80;
	v1 =	vmul.u32 $0x8, v1;
	s9 =	smax.u32 s10, $0x1;
	s10 =	simm.s32 $0x2  }
.LBB2_2:
0x14: {  	[tilespmem:s3], [sflag:$0x2] =	stream.linear.gather [hbm4b:s8+s3], $0x20, $0x38;
	[tilespmem:$0x8080] =	vst v63  }
0x15: {  	_ =	swait.ge [sflag:s10], $0x20  }
0x16: {  	[sflag:s10] =	ssyncset.done $0x0  }
0x17: {  	[sflag:s10] =	ssyncadd.s32 $0xFFFFFFE0  }
0x18: {  	v3 =	vld [tilespmem:$0x0];
	_ =	sdelay $0x4  }
0x19: {  	v4 =	vshll.u32 v3, $0x3  }
0x1a: {  	v3 =	vand.u32 $0x7, v3;
	v4 =	vand.u32 $0xFFFFFFC0, v4  }
0x1b: {  	v3 =	vor.u32 v3, v4  }
0x1c: {  	v4 =	vperm.xlane v3, v0;
	_ =	sdelay $0x1  }
0x1d: {  	v4 =	vadd.s32 v1, v4;
	_ =	sdelay $0x4  }
0x1e: {  	[tilespmem:s11], [sflag:$0x1] =	stream.indirect_vreg.gather [hbm4b:s1+s3], $0x80, v4, vm0, $0xb8;
	[tilespmem:$0x8080] =	vst v63  }
0x1f: {  	v3 =	vperm.xlane v3, v2  }
0x20: {  	[tilespmem:s12], [sflag:$0x1] =	stream.indirect_vreg.gather [hbm4b:s4+s3], $0x80, v4, vm0, $0xb8;
	[tilespmem:$0x8080] =	vst v63  }
0x21: {  	v3 =	vadd.s32 v1, v3  }
0x22: {  	[tilespmem:s13], [sflag:$0x1] =	stream.indirect_vreg.gather [hbm4b:s5+s3], $0x80, v4, vm0, $0xb8;
	[tilespmem:$0x8080] =	vst v63  }
0x23: {  	_ = 	snop  }
0x24: {  	[tilespmem:s14], [sflag:$0x1] =	stream.indirect_vreg.gather [hbm4b:s6+s3], $0x80, v4, vm0, $0xb8;
	[tilespmem:$0x8080] =	vst v63  }
0x25: {  	_ = 	snop  }
0x26: {  	[tilespmem:s15], [sflag:$0x1] =	stream.indirect_vreg.gather [hbm4b:s1+s3], $0x80, v3, vm0, $0xb8;
	[tilespmem:$0x8080] =	vst v63  }
0x27: {  	_ = 	snop  }
0x28: {  	[tilespmem:s16], [sflag:$0x1] =	stream.indirect_vreg.gather [hbm4b:s4+s3], $0x80, v3, vm0, $0xb8;
	[tilespmem:$0x8080] =	vst v63  }
0x29: {  	_ = 	snop  }
0x2a: {  	[tilespmem:s17], [sflag:$0x1] =	stream.indirect_vreg.gather [hbm4b:s5+s3], $0x80, v3, vm0, $0xb8;
	[tilespmem:$0x8080] =	vst v63  }
0x2b: {  	_ = 	snop  }
0x2c: {  	[tilespmem:s18], [sflag:$0x1] =	stream.indirect_vreg.gather [hbm4b:s6+s3], $0x80, v3, vm0, $0xb8;
	[tilespmem:$0x8080] =	vst v63  }
0x2d: {  	v3 =	vld [tilespmem:$0x10];
	_ =	sdelay $0x4  }
0x2e: {  	v63 =	vshll.u32 v3, $0x3  }
0x2f: {  	v3 =	vand.u32 $0x7, v3;
	v4 =	vand.u32 $0xFFFFFFC0, v63  }
0x30: {  	v3 =	vor.u32 v3, v4  }
0x31: {  	v4 =	vperm.xlane v3, v0;
	_ =	sdelay $0x1  }
0x32: {  	v4 =	vadd.s32 v1, v4;
	_ =	sdelay $0x4  }
0x33: {  	[tilespmem:s19], [sflag:$0x1] =	stream.indirect_vreg.gather [hbm4b:s1+s3], $0x80, v4, vm0, $0xb8;
	[tilespmem:$0x8080] =	vst v63  }
0x34: {  	v3 =	vperm.xlane v3, v2  }
0x35: {  	[tilespmem:s20], [sflag:$0x1] =	stream.indirect_vreg.gather [hbm4b:s4+s3], $0x80, v4, vm0, $0xb8;
	[tilespmem:$0x8080] =	vst v63  }
0x36: {  	v3 =	vadd.s32 v1, v3  }
0x37: {  	[tilespmem:s21], [sflag:$0x1] =	stream.indirect_vreg.gather [hbm4b:s5+s3], $0x80, v4, vm0, $0xb8;
	[tilespmem:$0x8080] =	vst v63  }
0x38: {  	_ = 	snop  }
0x39: {  	[tilespmem:s22], [sflag:$0x1] =	stream.indirect_vreg.gather [hbm4b:s6+s3], $0x80, v4, vm0, $0xb8;
	[tilespmem:$0x8080] =	vst v63  }
0x3a: {  	_ = 	snop  }
0x3b: {  	[tilespmem:s23], [sflag:$0x1] =	stream.indirect_vreg.gather [hbm4b:s1+s3], $0x80, v3, vm0, $0xb8;
	[tilespmem:$0x8080] =	vst v63  }
0x3c: {  	_ = 	snop  }
0x3d: {  	[tilespmem:s24], [sflag:$0x1] =	stream.indirect_vreg.gather [hbm4b:s4+s3], $0x80, v3, vm0, $0xb8;
	[tilespmem:$0x8080] =	vst v63  }
0x3e: {  	_ = 	snop  }
0x3f: {  	[tilespmem:s25], [sflag:$0x1] =	stream.indirect_vreg.gather [hbm4b:s5+s3], $0x80, v3, vm0, $0xb8;
	[tilespmem:$0x8080] =	vst v63  }
0x40: {  	_ = 	snop  }
0x41: {  	[tilespmem:s26], [sflag:$0x1] =	stream.indirect_vreg.gather [hbm4b:s6+s3], $0x80, v3, vm0, $0xb8;
	[tilespmem:$0x8080] =	vst v63  }
0x42: {  	_ =	swait.ge [sflag:s28], $0x8000  }
0x43: {  	p0 =	sne.s32 s9, $0x1;
	[sflag:s28] =	ssyncset.done $0x0  }
.Ltmp1:
0x44: {  	[sflag:s28] =	ssyncadd.s32 $0xFFFF8000;
	(pc) =	sbr.rel @p0 .LBB2_2-.Ltmp1, $4  }
0x45: {  	[hbm4b:s7+s3] =	stream.linear.scatter [tilespmem:s11], [sflag:$0x2], $0x8000, $0x38;
	[tilespmem:$0x8080] =	vst v63  }
0x46: {  	_ =	swait.ge [sflag:s10], $0x8000  }
0x47: {  	[sflag:s10] =	ssyncset.done $0x0  }
0x48: {  	s9 =	sadd.s32 $0xFFFFFFFF, s9;
	[sflag:s10] =	ssyncadd.s32 $0xFFFF8000  }
.LBB2_3:
0x49: {  	_ =	sfence.sel $0x180000  }
0x4a: {  	[bflag:$0x0] =	sbarrier.arrive $0xFFFF  }
0x4b: {  	p0 =	sne.s32 s0, $0x0;
	_ =	strace $0x90000047  }
0x4c: {  	s0 =	sadd.s32 @!p0 $0x100000, s2;
	[bflag:$0x2] =	sbarrier.arrive $0xFFFF  }
0x4d: {  	[sflag:s0] =	ssyncadd.tile.s32 @!p0 $0x1;
	_ =	shalt  }
.Lfunc_end2:
_tile_overlayer_lowered:
.L_overlay_start_2:
0x4e: {  	(tag) =	ssettag $0x2  }
0x4f: {  	s0 =	rddreg [dreg:$0x0];
	s2 =	stileid.u32  }
0x50: {  	s1 =	rddreg [dreg:$0x1];
	p0 =	sne.s32 s2, $0x0  }
0x51: {  	s3 =	rddreg [dreg:$0x2];
	[bflag:$0x3] =	sbarrier.arrive $0xFFFF;
	s2 =	simm.s32 @!p0 $0x1C02  }
0x52: {  	[timem:s3], [sflag:s2] =	dma.local @!p0 [hbm:s0], s1  }
0x53: {  	s0 =	simm.s32 @!p0 $0x2  }
0x54: {  	_ =	swait.ge @!p0 [sflag:s0], s1  }
0x55: {  	s1 =	ssub.s32 @!p0 $0x0, s1;
	[sflag:s0] =	ssyncset.done @!p0 $0x0  }
0x56: {  	[sflag:s0] =	ssyncadd.s32 @!p0 s1  }
0x57: {  	[bflag:$0x3] =	sbarrier.arrive $0xFFFF  }
0x58: {  	_ =	shalt  }

</sc_bundles>
